<compile_context>
chip_gen: v7x
topology: tpu7x:2x2x1
jax: 0.10.2.dev20260603
libtpu: 0.0.44.dev20260713+nightly
codegen_flags: <defaults>
</compile_context>

<pallas_src>
import functools

import jax
import jax.numpy as jnp
from jax import lax
from jax.experimental import pallas as pl
from jax.experimental.pallas import tpu as pltpu
from jax.experimental.pallas import tpu_sc as plsc

N = 10000
D = 256
H = 10000
E = 160000
DP = 144
R = 10112
NT = 16
NC = 2
NB = 160
B = 64
EP = NT * NB * B
STRIPE = R // NT


def _prep_body(x_ref, w_ref, table_ref):
    x = x_ref[...]
    w = w_ref[...]
    s = jnp.sum(x * w, axis=1, keepdims=True)
    g = jnp.max(s)
    z = jnp.exp(s - g)
    ztail = jnp.concatenate(
        [z, jnp.zeros((N, DP - D // 2 - 1), jnp.float32)], axis=1)
    table_ref[0] = jnp.concatenate([x[:, : D // 2] * z, ztail], axis=1)
    table_ref[1] = jnp.concatenate([x[:, D // 2 :] * z, ztail], axis=1)


def _fin_body(num_ref, out_ref):
    lo = num_ref[0, :H, :]
    hi = num_ref[1, :H, :]
    den = lo[:, D // 2 : D // 2 + 1]
    nz = den != 0.0
    r = jnp.where(nz, 1.0 / jnp.where(nz, den, 1.0), 0.0)
    out_ref[:, : D // 2] = lo[:, : D // 2] * r
    out_ref[:, D // 2 :] = hi[:, : D // 2] * r


def kernel(node_feats, hyperedge_index, num_hyperedges, att_weight):
    del num_hyperedges
    node_feats = node_feats.astype(jnp.float32)
    att_weight = att_weight.astype(jnp.float32)

    table = pl.pallas_call(
        _prep_body,
        out_shape=jax.ShapeDtypeStruct((2, N, DP), jnp.float32),
    )(node_feats, att_weight)
    table = table.reshape(2 * N, DP)

    n_idx = hyperedge_index[0].astype(jnp.int32)
    h_idx = hyperedge_index[1].astype(jnp.int32)
    n_pad = jnp.concatenate(
        [n_idx, jnp.zeros((EP - E,), jnp.int32)]).reshape(NT, NB, 1, B)
    h_pad = jnp.concatenate(
        [h_idx, jnp.full((EP - E,), H, jnp.int32)]).reshape(NT, NB, 1, B)
    ncat = jnp.stack([n_pad, n_pad + N])
    zinit = jnp.zeros((STRIPE, DP), jnp.float32)

    mesh = plsc.VectorSubcoreMesh(
        core_axis_name="c", subcore_axis_name="s",
        num_cores=NC, num_subcores=NT)

    @functools.partial(
        pl.kernel,
        out_type=jax.ShapeDtypeStruct((NC, R, DP), jnp.float32),
        mesh=mesh,
        compiler_params=pltpu.CompilerParams(use_tc_tiling_on_sc=False),
        scratch_types=[
            pltpu.VMEM((NB, 1, B), jnp.int32),
            pltpu.VMEM((NB, 1, B), jnp.int32),
            pltpu.VMEM((B, DP), jnp.float32),
            pltpu.VMEM((B, DP), jnp.float32),
            pltpu.VMEM_SHARED((R, DP), jnp.float32),
            pltpu.SemaphoreType.DMA,
            pltpu.SemaphoreType.DMA,
        ],
    )
    def sc_gather_scatter(ncat_hbm, h_hbm, table_hbm, zinit_hbm, out_hbm,
                          nidx_v, hidx_v, buf_a, buf_b, acc_sh, sem_a, sem_b):
        c = lax.axis_index("c")
        t = lax.axis_index("s")
        pltpu.sync_copy(ncat_hbm.at[c, t], nidx_v)
        pltpu.sync_copy(h_hbm.at[t], hidx_v)
        pltpu.sync_copy(zinit_hbm, acc_sh.at[pl.ds(t * STRIPE, STRIPE)])
        plsc.subcore_barrier()

        pltpu.async_copy(table_hbm.at[nidx_v.at[0, 0]], buf_a, sem_a)

        def body(i, carry):
            b0 = 2 * i
            b1 = b0 + 1
            pltpu.async_copy(table_hbm.at[nidx_v.at[b1, 0]], buf_b, sem_b)
            pltpu.make_async_copy(
                table_hbm.at[nidx_v.at[b0, 0]], buf_a, sem_a).wait()
            pltpu.sync_copy(buf_a, acc_sh.at[hidx_v.at[b0, 0]], add=True)

            @pl.when(i < NB // 2 - 1)
            def _():
                pltpu.async_copy(
                    table_hbm.at[nidx_v.at[b0 + 2, 0]], buf_a, sem_a)

            pltpu.make_async_copy(
                table_hbm.at[nidx_v.at[b1, 0]], buf_b, sem_b).wait()
            pltpu.sync_copy(buf_b, acc_sh.at[hidx_v.at[b1, 0]], add=True)
            return carry

        lax.fori_loop(0, NB // 2, body, 0)
        plsc.subcore_barrier()
        pltpu.sync_copy(acc_sh.at[pl.ds(t * STRIPE, STRIPE)],
                        out_hbm.at[c, pl.ds(t * STRIPE, STRIPE)])

    num = sc_gather_scatter(ncat, h_pad, table, zinit)

    out = pl.pallas_call(
        _fin_body,
        out_shape=jax.ShapeDtypeStruct((H, D), jnp.float32),
    )(num)
    return out

# --- scband reference (transcript-rebuilt; emitter-appended) ---
"""Pipeline reference for scband-learned-scalar-attention-15040975470957 (READ-ONLY COPY).

The authoritative reference and input builder live on the scoring server;
editing this copy changes nothing except your own understanding.
"""

import jax, jax.numpy as jnp
import numpy as np

HIDDEN_DIM = 256
NUM_NODES = 10000
NUM_EDGES = 160000
NUM_HYPEREDGES = 10000


def setup_inputs(seed: int = 0) -> dict:
    key = jax.random.key(seed)
    k1, k2, k3 = jax.random.split(key, 3)
    node_feats = jax.random.normal(k1, (NUM_NODES, HIDDEN_DIM), dtype=jnp.float32)
    hyperedge_index = jax.random.randint(k2, (2, NUM_EDGES), 0, NUM_HYPEREDGES, dtype=jnp.int64)
    # Xavier-uniform init for attention_linear.weight of shape [1, hidden_dim]
    limit = float(np.sqrt(6.0 / (HIDDEN_DIM + 1)))
    att_weight = jax.random.uniform(k3, (1, HIDDEN_DIM), minval=-limit, maxval=limit, dtype=jnp.float32)
    return {
        "node_feats": node_feats,
        "hyperedge_index": hyperedge_index,
        "num_hyperedges": NUM_HYPEREDGES,
        "att_weight": att_weight,
    }


def reference(node_feats, hyperedge_index, num_hyperedges, att_weight):
    node_idx = hyperedge_index[0]
    hyperedge_idx = hyperedge_index[1]
    gathered = jnp.take(node_feats, node_idx, axis=0)                 # [E, D]
    scores = (gathered @ att_weight.T).squeeze(-1)                     # [E]
    scores = scores + (jnp.asarray(num_hyperedges) * 0).astype(scores.dtype)
    # scatter_softmax over hyperedge_idx (numerically stable)
    seg_max = jax.ops.segment_max(scores, hyperedge_idx, num_segments=NUM_HYPEREDGES)
    seg_max = jnp.where(jnp.isfinite(seg_max), seg_max, 0.0)
    shifted = scores - jnp.take(seg_max, hyperedge_idx, axis=0)
    exp_scores = jnp.exp(shifted)
    denom = jax.ops.segment_sum(exp_scores, hyperedge_idx, num_segments=NUM_HYPEREDGES)
    weights = exp_scores / jnp.take(denom, hyperedge_idx, axis=0)      # [E]
    weighted = weights[:, None] * gathered                             # [E, D]
    hyperedge_feats = jax.ops.segment_sum(weighted, hyperedge_idx, num_segments=NUM_HYPEREDGES)
    return hyperedge_feats

if __name__ == "__main__":
    import jax
    _d = setup_inputs()
    print(jax.jit(kernel)(*tuple(_d.values())))

</pallas_src>

<mosaic_0001>
#map = affine_map<(d0, d1) -> (0, 0, 0, 0, 0)>
#map1 = affine_map<(d0, d1) -> (0, 0, 0, 0)>
#map2 = affine_map<(d0, d1) -> (0, 0)>
#map3 = affine_map<(d0, d1) -> (0, 0, 0)>
module attributes {stable_mosaic.version = 14 : i64} {
  func.func @sc_gather_scatter(%arg0: i32, %arg1: i32, %arg2: memref<2x16x160x1x64xi32, #tpu.memory_space<hbm>>, %arg3: memref<16x160x1x64xi32, #tpu.memory_space<hbm>>, %arg4: memref<20000x144xf32, #tpu.memory_space<hbm>>, %arg5: memref<632x144xf32, #tpu.memory_space<hbm>>, %arg6: memref<2x10112x144xf32, #tpu.memory_space<hbm>>, %arg7: memref<160x1x64xi32, #tpu.memory_space<vmem>>, %arg8: memref<160x1x64xi32, #tpu.memory_space<vmem>>, %arg9: memref<64x144xf32, #tpu.memory_space<vmem>>, %arg10: memref<64x144xf32, #tpu.memory_space<vmem>>, %arg11: memref<10112x144xf32, #tpu.memory_space<vmem_shared>>, %arg12: memref<!tpu.dma_semaphore, #tpu.memory_space<semaphore_mem>>, %arg13: memref<!tpu.dma_semaphore, #tpu.memory_space<semaphore_mem>>) attributes {dimension_semantics = [#tpu.dimension_semantics<core_parallel>, #tpu.dimension_semantics<subcore_parallel>], iteration_bounds = array<i64: 2, 16>, scalar_prefetch = 0 : i64, scratch_operands = 7 : i64, tpu.core_type = #tpu.core_type<sc_vector_subcore>, window_params = [{transform_indices = #map}, {transform_indices = #map1}, {transform_indices = #map2}, {transform_indices = #map2}, {transform_indices = #map3}]} {
    "tpu.region"() ({
      %run_scoped3A = tpu.sem_alloc : memref<!tpu.dma_semaphore, #tpu.memory_space<semaphore_mem>>
      %dma_start3A_18 = arith.constant 0 : i32
      %dma_start3A_19 = arith.constant 0 : i32
      %dma_start3A_20 = arith.constant 0 : i32
      %dma_start3A_21 = tpu.memref_slice %arg2[%arg0, %arg1, %dma_start3A_18, %dma_start3A_19, %dma_start3A_20] : memref<2x16x160x1x64xi32, #tpu.memory_space<hbm>> -> memref<1x1x160x1x64xi32, #tpu.memory_space<hbm>>
      %dma_start3A_22 = tpu.memref_squeeze %dma_start3A_21 : memref<1x1x160x1x64xi32, #tpu.memory_space<hbm>> -> memref<160x1x64xi32, #tpu.memory_space<hbm>>
      %dma_start3A_23 = arith.constant 0 : i32
      %dma_start3A_24 = arith.constant 0 : i32
      %dma_start3A_25 = arith.constant 0 : i32
      %dma_start3A_26 = tpu.memref_slice %arg2[%arg0, %arg1, %dma_start3A_23, %dma_start3A_24, %dma_start3A_25] : memref<2x16x160x1x64xi32, #tpu.memory_space<hbm>> -> memref<1x1x160x1x64xi32, #tpu.memory_space<hbm>>
      %dma_start3A_27 = tpu.memref_squeeze %dma_start3A_26 : memref<1x1x160x1x64xi32, #tpu.memory_space<hbm>> -> memref<160x1x64xi32, #tpu.memory_space<hbm>>
      tpu.enqueue_dma source(%dma_start3A_27 : memref<160x1x64xi32, #tpu.memory_space<hbm>>) target(%arg7 : memref<160x1x64xi32, #tpu.memory_space<vmem>>) target_semaphore(%run_scoped3A : memref<!tpu.dma_semaphore, #tpu.memory_space<semaphore_mem>>)
      %dma_wait3A = arith.constant 0 : i32
      %dma_wait3A_28 = arith.constant 0 : i32
      %dma_wait3A_29 = arith.constant 0 : i32
      %dma_wait3A_30 = tpu.memref_slice %arg2[%arg0, %arg1, %dma_wait3A, %dma_wait3A_28, %dma_wait3A_29] : memref<2x16x160x1x64xi32, #tpu.memory_space<hbm>> -> memref<1x1x160x1x64xi32, #tpu.memory_space<hbm>>
      %dma_wait3A_31 = tpu.memref_squeeze %dma_wait3A_30 : memref<1x1x160x1x64xi32, #tpu.memory_space<hbm>> -> memref<160x1x64xi32, #tpu.memory_space<hbm>>
      %dma_wait3A_32 = arith.constant 0 : i32
      %dma_wait3A_33 = arith.constant 0 : i32
      %dma_wait3A_34 = arith.constant 0 : i32
      %dma_wait3A_35 = tpu.memref_slice %arg2[%arg0, %arg1, %dma_wait3A_32, %dma_wait3A_33, %dma_wait3A_34] : memref<2x16x160x1x64xi32, #tpu.memory_space<hbm>> -> memref<1x1x160x1x64xi32, #tpu.memory_space<hbm>>
      %dma_wait3A_36 = tpu.memref_squeeze %dma_wait3A_35 : memref<1x1x160x1x64xi32, #tpu.memory_space<hbm>> -> memref<160x1x64xi32, #tpu.memory_space<hbm>>
      tpu.wait_dma2 semaphore(%run_scoped3A : memref<!tpu.dma_semaphore, #tpu.memory_space<semaphore_mem>>) src(%dma_wait3A_36 : memref<160x1x64xi32, #tpu.memory_space<hbm>>) dst(%arg7 : memref<160x1x64xi32, #tpu.memory_space<vmem>>)
      tpu.yield
    }) : () -> ()
    "tpu.region"() ({
      %run_scoped3A = tpu.sem_alloc : memref<!tpu.dma_semaphore, #tpu.memory_space<semaphore_mem>>
      %dma_start3A_18 = arith.constant 0 : i32
      %dma_start3A_19 = arith.constant 0 : i32
      %dma_start3A_20 = arith.constant 0 : i32
      %dma_start3A_21 = tpu.memref_slice %arg3[%arg1, %dma_start3A_18, %dma_start3A_19, %dma_start3A_20] : memref<16x160x1x64xi32, #tpu.memory_space<hbm>> -> memref<1x160x1x64xi32, #tpu.memory_space<hbm>>
      %dma_start3A_22 = tpu.memref_squeeze %dma_start3A_21 : memref<1x160x1x64xi32, #tpu.memory_space<hbm>> -> memref<160x1x64xi32, #tpu.memory_space<hbm>>
      %dma_start3A_23 = arith.constant 0 : i32
      %dma_start3A_24 = arith.constant 0 : i32
      %dma_start3A_25 = arith.constant 0 : i32
      %dma_start3A_26 = tpu.memref_slice %arg3[%arg1, %dma_start3A_23, %dma_start3A_24, %dma_start3A_25] : memref<16x160x1x64xi32, #tpu.memory_space<hbm>> -> memref<1x160x1x64xi32, #tpu.memory_space<hbm>>
      %dma_start3A_27 = tpu.memref_squeeze %dma_start3A_26 : memref<1x160x1x64xi32, #tpu.memory_space<hbm>> -> memref<160x1x64xi32, #tpu.memory_space<hbm>>
      tpu.enqueue_dma source(%dma_start3A_27 : memref<160x1x64xi32, #tpu.memory_space<hbm>>) target(%arg8 : memref<160x1x64xi32, #tpu.memory_space<vmem>>) target_semaphore(%run_scoped3A : memref<!tpu.dma_semaphore, #tpu.memory_space<semaphore_mem>>)
      %dma_wait3A = arith.constant 0 : i32
      %dma_wait3A_28 = arith.constant 0 : i32
      %dma_wait3A_29 = arith.constant 0 : i32
      %dma_wait3A_30 = tpu.memref_slice %arg3[%arg1, %dma_wait3A, %dma_wait3A_28, %dma_wait3A_29] : memref<16x160x1x64xi32, #tpu.memory_space<hbm>> -> memref<1x160x1x64xi32, #tpu.memory_space<hbm>>
      %dma_wait3A_31 = tpu.memref_squeeze %dma_wait3A_30 : memref<1x160x1x64xi32, #tpu.memory_space<hbm>> -> memref<160x1x64xi32, #tpu.memory_space<hbm>>
      %dma_wait3A_32 = arith.constant 0 : i32
      %dma_wait3A_33 = arith.constant 0 : i32
      %dma_wait3A_34 = arith.constant 0 : i32
      %dma_wait3A_35 = tpu.memref_slice %arg3[%arg1, %dma_wait3A_32, %dma_wait3A_33, %dma_wait3A_34] : memref<16x160x1x64xi32, #tpu.memory_space<hbm>> -> memref<1x160x1x64xi32, #tpu.memory_space<hbm>>
      %dma_wait3A_36 = tpu.memref_squeeze %dma_wait3A_35 : memref<1x160x1x64xi32, #tpu.memory_space<hbm>> -> memref<160x1x64xi32, #tpu.memory_space<hbm>>
      tpu.wait_dma2 semaphore(%run_scoped3A : memref<!tpu.dma_semaphore, #tpu.memory_space<semaphore_mem>>) src(%dma_wait3A_36 : memref<160x1x64xi32, #tpu.memory_space<hbm>>) dst(%arg8 : memref<160x1x64xi32, #tpu.memory_space<vmem>>)
      tpu.yield
    }) : () -> ()
    %mul3A = arith.constant 632 : i32
    %mul3A_0 = arith.muli %arg1, %mul3A : i32
    "tpu.region"() ({
      %run_scoped3A = tpu.sem_alloc : memref<!tpu.dma_semaphore, #tpu.memory_space<semaphore_mem>>
      %dma_start3A_18 = arith.constant 0 : i32
      %dma_start3A_19 = tpu.memref_slice %arg11[%mul3A_0, %dma_start3A_18] : memref<10112x144xf32, #tpu.memory_space<vmem_shared>> -> memref<632x144xf32, #tpu.memory_space<vmem_shared>>
      tpu.enqueue_dma source(%arg5 : memref<632x144xf32, #tpu.memory_space<hbm>>) target(%dma_start3A_19 : memref<632x144xf32, #tpu.memory_space<vmem_shared>>) target_semaphore(%run_scoped3A : memref<!tpu.dma_semaphore, #tpu.memory_space<semaphore_mem>>)
      %dma_wait3A = arith.constant 0 : i32
      %dma_wait3A_20 = tpu.memref_slice %arg11[%mul3A_0, %dma_wait3A] : memref<10112x144xf32, #tpu.memory_space<vmem_shared>> -> memref<632x144xf32, #tpu.memory_space<vmem_shared>>
      tpu.wait_dma2 semaphore(%run_scoped3A : memref<!tpu.dma_semaphore, #tpu.memory_space<semaphore_mem>>) src(%arg5 : memref<632x144xf32, #tpu.memory_space<hbm>>) dst(%dma_wait3A_20 : memref<632x144xf32, #tpu.memory_space<vmem_shared>>)
      tpu.yield
    }) : () -> ()
    %barrier3A = arith.constant 0 : index
    tpu.barrier barrier_id(%barrier3A)
    %dma_start3A = arith.constant 0 : i32
    %dma_start3A_1 = arith.constant 0 : i32
    %dma_start3A_2 = arith.constant 0 : i32
    %dma_start3A_3 = tpu.memref_slice %arg7[%dma_start3A, %dma_start3A_1, %dma_start3A_2] : memref<160x1x64xi32, #tpu.memory_space<vmem>> -> memref<1x1x64xi32, #tpu.memory_space<vmem>>
    %dma_start3A_4 = tpu.memref_squeeze %dma_start3A_3 : memref<1x1x64xi32, #tpu.memory_space<vmem>> -> memref<64xi32, #tpu.memory_space<vmem>>
    %dma_start3A_5 = arith.constant 0 : i32
    %dma_start3A_6 = arith.constant 0 : i32
    %dma_start3A_7 = tpu.memref_slice %arg4[%dma_start3A_5, %dma_start3A_6] : memref<20000x144xf32, #tpu.memory_space<hbm>> -> memref<20000x144xf32, #tpu.memory_space<hbm>>
    tpu.enqueue_indirect_dma source(%dma_start3A_7 : memref<20000x144xf32, #tpu.memory_space<hbm>>) target(%arg9 : memref<64x144xf32, #tpu.memory_space<vmem>>) offsets(%dma_start3A_4 : memref<64xi32, #tpu.memory_space<vmem>>) semaphore(%arg12 : memref<!tpu.dma_semaphore, #tpu.memory_space<semaphore_mem>>)
    %scan3A = arith.constant 0 : i32
    %scan3A_8 = arith.constant 0 : i32
    %scan3A_9 = arith.constant 80 : i32
    %scan3A_10 = arith.addi %scan3A_8, %scan3A_9 : i32
    %scan3A_11 = arith.constant 1 : i32
    scf.for %scan3A_18 = %scan3A_8 to %scan3A_10 step %scan3A_11  : i32 {
      %mul3A_19 = arith.constant 2 : i32
      %mul3A_20 = arith.muli %mul3A_19, %scan3A_18 : i32
      %add3A = arith.constant 1 : i32
      %add3A_21 = arith.addi %mul3A_20, %add3A : i32
      %dma_start3A_22 = arith.constant 0 : i32
      %dma_start3A_23 = arith.constant 0 : i32
      %dma_start3A_24 = tpu.memref_slice %arg7[%add3A_21, %dma_start3A_22, %dma_start3A_23] : memref<160x1x64xi32, #tpu.memory_space<vmem>> -> memref<1x1x64xi32, #tpu.memory_space<vmem>>
      %dma_start3A_25 = tpu.memref_squeeze %dma_start3A_24 : memref<1x1x64xi32, #tpu.memory_space<vmem>> -> memref<64xi32, #tpu.memory_space<vmem>>
      %dma_start3A_26 = arith.constant 0 : i32
      %dma_start3A_27 = arith.constant 0 : i32
      %dma_start3A_28 = tpu.memref_slice %arg4[%dma_start3A_26, %dma_start3A_27] : memref<20000x144xf32, #tpu.memory_space<hbm>> -> memref<20000x144xf32, #tpu.memory_space<hbm>>
      tpu.enqueue_indirect_dma source(%dma_start3A_28 : memref<20000x144xf32, #tpu.memory_space<hbm>>) target(%arg10 : memref<64x144xf32, #tpu.memory_space<vmem>>) offsets(%dma_start3A_25 : memref<64xi32, #tpu.memory_space<vmem>>) semaphore(%arg13 : memref<!tpu.dma_semaphore, #tpu.memory_space<semaphore_mem>>)
      %dma_wait3A = arith.constant 0 : i32
      %dma_wait3A_29 = arith.constant 0 : i32
      %dma_wait3A_30 = tpu.memref_slice %arg7[%mul3A_20, %dma_wait3A, %dma_wait3A_29] : memref<160x1x64xi32, #tpu.memory_space<vmem>> -> memref<1x1x64xi32, #tpu.memory_space<vmem>>
      %dma_wait3A_31 = tpu.memref_squeeze %dma_wait3A_30 : memref<1x1x64xi32, #tpu.memory_space<vmem>> -> memref<64xi32, #tpu.memory_space<vmem>>
      %dma_wait3A_32 = arith.constant 0 : i32
      %dma_wait3A_33 = arith.constant 0 : i32
      %dma_wait3A_34 = tpu.memref_slice %arg4[%dma_wait3A_32, %dma_wait3A_33] : memref<20000x144xf32, #tpu.memory_space<hbm>> -> memref<20000x144xf32, #tpu.memory_space<hbm>>
      tpu.wait_indirect_dma semaphore(%arg12 : memref<!tpu.dma_semaphore, #tpu.memory_space<semaphore_mem>>) src(%dma_wait3A_34 : memref<20000x144xf32, #tpu.memory_space<hbm>>) dst(%arg9 : memref<64x144xf32, #tpu.memory_space<vmem>>)
      %run_scoped3A = arith.constant 0 : i32
      "tpu.region"() ({
        %run_scoped3A_45 = tpu.sem_alloc : memref<!tpu.dma_semaphore, #tpu.memory_space<semaphore_mem>>
        %dma_start3A_46 = arith.constant 0 : i32
        %dma_start3A_47 = tpu.memref_slice %arg8[%mul3A_20, %run_scoped3A, %dma_start3A_46] : memref<160x1x64xi32, #tpu.memory_space<vmem>> -> memref<1x1x64xi32, #tpu.memory_space<vmem>>
        %dma_start3A_48 = tpu.memref_squeeze %dma_start3A_47 : memref<1x1x64xi32, #tpu.memory_space<vmem>> -> memref<64xi32, #tpu.memory_space<vmem>>
        %dma_start3A_49 = arith.constant 0 : i32
        %dma_start3A_50 = arith.constant 0 : i32
        %dma_start3A_51 = tpu.memref_slice %arg11[%dma_start3A_49, %dma_start3A_50] : memref<10112x144xf32, #tpu.memory_space<vmem_shared>> -> memref<10112x144xf32, #tpu.memory_space<vmem_shared>>
        tpu.enqueue_indirect_dma source(%arg9 : memref<64x144xf32, #tpu.memory_space<vmem>>) target(%dma_start3A_51 : memref<10112x144xf32, #tpu.memory_space<vmem_shared>>) offsets(%dma_start3A_48 : memref<64xi32, #tpu.memory_space<vmem>>) semaphore(%run_scoped3A_45 : memref<!tpu.dma_semaphore, #tpu.memory_space<semaphore_mem>>) {add = true}
        %dma_wait3A_52 = arith.constant 0 : i32
        %dma_wait3A_53 = tpu.memref_slice %arg8[%mul3A_20, %run_scoped3A, %dma_wait3A_52] : memref<160x1x64xi32, #tpu.memory_space<vmem>> -> memref<1x1x64xi32, #tpu.memory_space<vmem>>
        %dma_wait3A_54 = tpu.memref_squeeze %dma_wait3A_53 : memref<1x1x64xi32, #tpu.memory_space<vmem>> -> memref<64xi32, #tpu.memory_space<vmem>>
        %dma_wait3A_55 = arith.constant 0 : i32
        %dma_wait3A_56 = arith.constant 0 : i32
        %dma_wait3A_57 = tpu.memref_slice %arg11[%dma_wait3A_55, %dma_wait3A_56] : memref<10112x144xf32, #tpu.memory_space<vmem_shared>> -> memref<10112x144xf32, #tpu.memory_space<vmem_shared>>
        tpu.wait_indirect_dma semaphore(%run_scoped3A_45 : memref<!tpu.dma_semaphore, #tpu.memory_space<semaphore_mem>>) src(%arg9 : memref<64x144xf32, #tpu.memory_space<vmem>>) dst(%dma_wait3A_57 : memref<10112x144xf32, #tpu.memory_space<vmem_shared>>)
        tpu.yield
      }) : () -> ()
      %lt3A = arith.constant 79 : i32
      %lt3A_35 = arith.cmpi slt, %scan3A_18, %lt3A : i32
      %convert_element_type3A = arith.extui %lt3A_35 : i1 to i32
      %cond3A = arith.constant 0 : i32
      %cond3A_36 = arith.cmpi ne, %convert_element_type3A, %cond3A : i32
      scf.if %cond3A_36 {
        %add3A_45 = arith.constant 2 : i32
        %add3A_46 = arith.addi %mul3A_20, %add3A_45 : i32
        %dma_start3A_47 = arith.constant 0 : i32
        %dma_start3A_48 = arith.constant 0 : i32
        %dma_start3A_49 = tpu.memref_slice %arg7[%add3A_46, %dma_start3A_47, %dma_start3A_48] : memref<160x1x64xi32, #tpu.memory_space<vmem>> -> memref<1x1x64xi32, #tpu.memory_space<vmem>>
        %dma_start3A_50 = tpu.memref_squeeze %dma_start3A_49 : memref<1x1x64xi32, #tpu.memory_space<vmem>> -> memref<64xi32, #tpu.memory_space<vmem>>
        %dma_start3A_51 = arith.constant 0 : i32
        %dma_start3A_52 = arith.constant 0 : i32
        %dma_start3A_53 = tpu.memref_slice %arg4[%dma_start3A_51, %dma_start3A_52] : memref<20000x144xf32, #tpu.memory_space<hbm>> -> memref<20000x144xf32, #tpu.memory_space<hbm>>
        tpu.enqueue_indirect_dma source(%dma_start3A_53 : memref<20000x144xf32, #tpu.memory_space<hbm>>) target(%arg9 : memref<64x144xf32, #tpu.memory_space<vmem>>) offsets(%dma_start3A_50 : memref<64xi32, #tpu.memory_space<vmem>>) semaphore(%arg12 : memref<!tpu.dma_semaphore, #tpu.memory_space<semaphore_mem>>)
      } else {
      }
      %dma_wait3A_37 = arith.constant 0 : i32
      %dma_wait3A_38 = arith.constant 0 : i32
      %dma_wait3A_39 = tpu.memref_slice %arg7[%add3A_21, %dma_wait3A_37, %dma_wait3A_38] : memref<160x1x64xi32, #tpu.memory_space<vmem>> -> memref<1x1x64xi32, #tpu.memory_space<vmem>>
      %dma_wait3A_40 = tpu.memref_squeeze %dma_wait3A_39 : memref<1x1x64xi32, #tpu.memory_space<vmem>> -> memref<64xi32, #tpu.memory_space<vmem>>
      %dma_wait3A_41 = arith.constant 0 : i32
      %dma_wait3A_42 = arith.constant 0 : i32
      %dma_wait3A_43 = tpu.memref_slice %arg4[%dma_wait3A_41, %dma_wait3A_42] : memref<20000x144xf32, #tpu.memory_space<hbm>> -> memref<20000x144xf32, #tpu.memory_space<hbm>>
      tpu.wait_indirect_dma semaphore(%arg13 : memref<!tpu.dma_semaphore, #tpu.memory_space<semaphore_mem>>) src(%dma_wait3A_43 : memref<20000x144xf32, #tpu.memory_space<hbm>>) dst(%arg10 : memref<64x144xf32, #tpu.memory_space<vmem>>)
      %run_scoped3A_44 = arith.constant 0 : i32
      "tpu.region"() ({
        %run_scoped3A_45 = tpu.sem_alloc : memref<!tpu.dma_semaphore, #tpu.memory_space<semaphore_mem>>
        %dma_start3A_46 = arith.constant 0 : i32
        %dma_start3A_47 = tpu.memref_slice %arg8[%add3A_21, %run_scoped3A_44, %dma_start3A_46] : memref<160x1x64xi32, #tpu.memory_space<vmem>> -> memref<1x1x64xi32, #tpu.memory_space<vmem>>
        %dma_start3A_48 = tpu.memref_squeeze %dma_start3A_47 : memref<1x1x64xi32, #tpu.memory_space<vmem>> -> memref<64xi32, #tpu.memory_space<vmem>>
        %dma_start3A_49 = arith.constant 0 : i32
        %dma_start3A_50 = arith.constant 0 : i32
        %dma_start3A_51 = tpu.memref_slice %arg11[%dma_start3A_49, %dma_start3A_50] : memref<10112x144xf32, #tpu.memory_space<vmem_shared>> -> memref<10112x144xf32, #tpu.memory_space<vmem_shared>>
        tpu.enqueue_indirect_dma source(%arg10 : memref<64x144xf32, #tpu.memory_space<vmem>>) target(%dma_start3A_51 : memref<10112x144xf32, #tpu.memory_space<vmem_shared>>) offsets(%dma_start3A_48 : memref<64xi32, #tpu.memory_space<vmem>>) semaphore(%run_scoped3A_45 : memref<!tpu.dma_semaphore, #tpu.memory_space<semaphore_mem>>) {add = true}
        %dma_wait3A_52 = arith.constant 0 : i32
        %dma_wait3A_53 = tpu.memref_slice %arg8[%add3A_21, %run_scoped3A_44, %dma_wait3A_52] : memref<160x1x64xi32, #tpu.memory_space<vmem>> -> memref<1x1x64xi32, #tpu.memory_space<vmem>>
        %dma_wait3A_54 = tpu.memref_squeeze %dma_wait3A_53 : memref<1x1x64xi32, #tpu.memory_space<vmem>> -> memref<64xi32, #tpu.memory_space<vmem>>
        %dma_wait3A_55 = arith.constant 0 : i32
        %dma_wait3A_56 = arith.constant 0 : i32
        %dma_wait3A_57 = tpu.memref_slice %arg11[%dma_wait3A_55, %dma_wait3A_56] : memref<10112x144xf32, #tpu.memory_space<vmem_shared>> -> memref<10112x144xf32, #tpu.memory_space<vmem_shared>>
        tpu.wait_indirect_dma semaphore(%run_scoped3A_45 : memref<!tpu.dma_semaphore, #tpu.memory_space<semaphore_mem>>) src(%arg10 : memref<64x144xf32, #tpu.memory_space<vmem>>) dst(%dma_wait3A_57 : memref<10112x144xf32, #tpu.memory_space<vmem_shared>>)
        tpu.yield
      }) : () -> ()
    }
    %scan3A_12 = arith.constant 80 : i32
    %barrier3A_13 = arith.constant 0 : index
    tpu.barrier barrier_id(%barrier3A_13)
    %mul3A_14 = arith.constant 632 : i32
    %mul3A_15 = arith.muli %arg1, %mul3A_14 : i32
    %mul3A_16 = arith.constant 632 : i32
    %mul3A_17 = arith.muli %arg1, %mul3A_16 : i32
    "tpu.region"() ({
      %run_scoped3A = tpu.sem_alloc : memref<!tpu.dma_semaphore, #tpu.memory_space<semaphore_mem>>
      %dma_start3A_18 = arith.constant 0 : i32
      %dma_start3A_19 = tpu.memref_slice %arg6[%arg0, %mul3A_17, %dma_start3A_18] : memref<2x10112x144xf32, #tpu.memory_space<hbm>> -> memref<1x632x144xf32, #tpu.memory_space<hbm>>
      %dma_start3A_20 = tpu.memref_squeeze %dma_start3A_19 : memref<1x632x144xf32, #tpu.memory_space<hbm>> -> memref<632x144xf32, #tpu.memory_space<hbm>>
      %dma_start3A_21 = arith.constant 0 : i32
      %dma_start3A_22 = tpu.memref_slice %arg11[%mul3A_15, %dma_start3A_21] : memref<10112x144xf32, #tpu.memory_space<vmem_shared>> -> memref<632x144xf32, #tpu.memory_space<vmem_shared>>
      tpu.enqueue_dma source(%dma_start3A_22 : memref<632x144xf32, #tpu.memory_space<vmem_shared>>) target(%dma_start3A_20 : memref<632x144xf32, #tpu.memory_space<hbm>>) target_semaphore(%run_scoped3A : memref<!tpu.dma_semaphore, #tpu.memory_space<semaphore_mem>>)
      %dma_wait3A = arith.constant 0 : i32
      %dma_wait3A_23 = tpu.memref_slice %arg6[%arg0, %mul3A_17, %dma_wait3A] : memref<2x10112x144xf32, #tpu.memory_space<hbm>> -> memref<1x632x144xf32, #tpu.memory_space<hbm>>
      %dma_wait3A_24 = tpu.memref_squeeze %dma_wait3A_23 : memref<1x632x144xf32, #tpu.memory_space<hbm>> -> memref<632x144xf32, #tpu.memory_space<hbm>>
      %dma_wait3A_25 = arith.constant 0 : i32
      %dma_wait3A_26 = tpu.memref_slice %arg11[%mul3A_15, %dma_wait3A_25] : memref<10112x144xf32, #tpu.memory_space<vmem_shared>> -> memref<632x144xf32, #tpu.memory_space<vmem_shared>>
      tpu.wait_dma2 semaphore(%run_scoped3A : memref<!tpu.dma_semaphore, #tpu.memory_space<semaphore_mem>>) src(%dma_wait3A_26 : memref<632x144xf32, #tpu.memory_space<vmem_shared>>) dst(%dma_wait3A_24 : memref<632x144xf32, #tpu.memory_space<hbm>>)
      tpu.yield
    }) : () -> ()
    return
  }
}

module attributes {stable_mosaic.version = 14 : i64} {
  func.func @_prep_body(%arg0: memref<10000x256xf32, #tpu.memory_space<vmem>>, %arg1: memref<1x256xf32, #tpu.memory_space<vmem>>, %arg2: memref<2x10000x144xf32, #tpu.memory_space<vmem>>) attributes {dimension_semantics = [], scalar_prefetch = 0 : i64, scratch_operands = 0 : i64, tpu.core_type = #tpu.core_type<tc>} {
    %get3A = arith.constant 0 : index
    %get3A_0 = arith.constant 0 : index
    %get3A_1 = vector.load %arg0[%get3A, %get3A_0] : memref<10000x256xf32, #tpu.memory_space<vmem>>, vector<10000x256xf32>
    %get3A_2 = arith.constant 0 : index
    %get3A_3 = arith.constant 0 : index
    %get3A_4 = vector.load %arg1[%get3A_2, %get3A_3] : memref<1x256xf32, #tpu.memory_space<vmem>>, vector<1x256xf32>
    %mul3A = vector.broadcast %get3A_4 : vector<1x256xf32> to vector<10000x256xf32>
    %mul3A_5 = arith.mulf %get3A_1, %mul3A : vector<10000x256xf32>
    %reduce_sum3A = arith.constant dense<0.000000e+00> : vector<10000xf32>
    %reduce_sum3A_6 = vector.multi_reduction <add>, %mul3A_5, %reduce_sum3A [1] : vector<10000x256xf32> to vector<10000xf32>
    %broadcast_in_dim3A = vector.shape_cast %reduce_sum3A_6 : vector<10000xf32> to vector<10000x1xf32>
    %reduce_max3A = vector.shape_cast %broadcast_in_dim3A : vector<10000x1xf32> to vector<1x10000x1xf32>
    %reduce_max3A_7 = arith.constant dense<0xFF800000> : vector<1xf32>
    %reduce_max3A_8 = vector.multi_reduction <maximumf>, %reduce_max3A, %reduce_max3A_7 [1, 2] : vector<1x10000x1xf32> to vector<1xf32>
    %reduce_max3A_9 = vector.shape_cast %reduce_max3A_8 : vector<1xf32> to vector<1x1x1xf32>
    %reduce_max3A_10 = vector.extract %reduce_max3A_9[0, 0, 0] : f32 from vector<1x1x1xf32>
    %sub3A = vector.broadcast %reduce_max3A_10 : f32 to vector<10000x1xf32>
    %sub3A_11 = arith.subf %broadcast_in_dim3A, %sub3A : vector<10000x1xf32>
    %exp3A = math.exp %sub3A_11 : vector<10000x1xf32>
    %broadcast_in_dim3A_12 = arith.constant 0.000000e+00 : f32
    %broadcast_in_dim3A_13 = vector.broadcast %broadcast_in_dim3A_12 : f32 to vector<10000x15xf32>
    %concatenate3A = tpu.concatenate %exp3A, %broadcast_in_dim3A_13 in 1 : vector<10000x1xf32>, vector<10000x15xf32> -> vector<10000x16xf32>
    %slice3A = vector.extract_strided_slice %get3A_1 {offsets = [0, 0], sizes = [10000, 128], strides = [1, 1]} : vector<10000x256xf32> to vector<10000x128xf32>
    %mul3A_14 = vector.broadcast %exp3A : vector<10000x1xf32> to vector<10000x128xf32>
    %mul3A_15 = arith.mulf %slice3A, %mul3A_14 : vector<10000x128xf32>
    %concatenate3A_16 = tpu.concatenate %mul3A_15, %concatenate3A in 1 : vector<10000x128xf32>, vector<10000x16xf32> -> vector<10000x144xf32>
    %swap3A = arith.constant 0 : index
    %swap3A_17 = arith.constant 0 : index
    %swap3A_18 = arith.constant 0 : index
    %swap3A_19 = vector.load %arg2[%swap3A, %swap3A_17, %swap3A_18] : memref<2x10000x144xf32, #tpu.memory_space<vmem>>, vector<1x10000x144xf32>
    %swap3A_20 = vector.shape_cast %swap3A_19 : vector<1x10000x144xf32> to vector<10000x144xf32>
    %swap3A_21 = vector.shape_cast %concatenate3A_16 : vector<10000x144xf32> to vector<1x10000x144xf32>
    tpu.vector_store %arg2[%swap3A, %swap3A_17, %swap3A_18], %swap3A_21 {strides = array<i32>} : memref<2x10000x144xf32, #tpu.memory_space<vmem>>, vector<1x10000x144xf32>,
    %slice3A_22 = vector.extract_strided_slice %get3A_1 {offsets = [0, 128], sizes = [10000, 128], strides = [1, 1]} : vector<10000x256xf32> to vector<10000x128xf32>
    %mul3A_23 = vector.broadcast %exp3A : vector<10000x1xf32> to vector<10000x128xf32>
    %mul3A_24 = arith.mulf %slice3A_22, %mul3A_23 : vector<10000x128xf32>
    %concatenate3A_25 = tpu.concatenate %mul3A_24, %concatenate3A in 1 : vector<10000x128xf32>, vector<10000x16xf32> -> vector<10000x144xf32>
    %swap3A_26 = arith.constant 1 : index
    %swap3A_27 = arith.constant 0 : index
    %swap3A_28 = arith.constant 0 : index
    %swap3A_29 = vector.load %arg2[%swap3A_26, %swap3A_27, %swap3A_28] : memref<2x10000x144xf32, #tpu.memory_space<vmem>>, vector<1x10000x144xf32>
    %swap3A_30 = vector.shape_cast %swap3A_29 : vector<1x10000x144xf32> to vector<10000x144xf32>
    %swap3A_31 = vector.shape_cast %concatenate3A_25 : vector<10000x144xf32> to vector<1x10000x144xf32>
    tpu.vector_store %arg2[%swap3A_26, %swap3A_27, %swap3A_28], %swap3A_31 {strides = array<i32>} : memref<2x10000x144xf32, #tpu.memory_space<vmem>>, vector<1x10000x144xf32>,
    return
  }
}

module attributes {stable_mosaic.version = 14 : i64} {
  func.func @_fin_body(%arg0: memref<2x10112x144xf32, #tpu.memory_space<vmem>>, %arg1: memref<10000x256xf32, #tpu.memory_space<vmem>>) attributes {dimension_semantics = [], scalar_prefetch = 0 : i64, scratch_operands = 0 : i64, tpu.core_type = #tpu.core_type<tc>} {
    %get3A = arith.constant 0 : index
    %get3A_0 = arith.constant 0 : index
    %get3A_1 = arith.constant 0 : index
    %get3A_2 = vector.load %arg0[%get3A, %get3A_0, %get3A_1] : memref<2x10112x144xf32, #tpu.memory_space<vmem>>, vector<1x10000x144xf32>
    %get3A_3 = vector.shape_cast %get3A_2 : vector<1x10000x144xf32> to vector<10000x144xf32>
    %get3A_4 = arith.constant 1 : index
    %get3A_5 = arith.constant 0 : index
    %get3A_6 = arith.constant 0 : index
    %get3A_7 = vector.load %arg0[%get3A_4, %get3A_5, %get3A_6] : memref<2x10112x144xf32, #tpu.memory_space<vmem>>, vector<1x10000x144xf32>
    %get3A_8 = vector.shape_cast %get3A_7 : vector<1x10000x144xf32> to vector<10000x144xf32>
    %slice3A = vector.extract_strided_slice %get3A_3 {offsets = [0, 128], sizes = [10000, 1], strides = [1, 1]} : vector<10000x144xf32> to vector<10000x1xf32>
    %ne3A = arith.constant 0.000000e+00 : f32
    %ne3A_9 = vector.broadcast %ne3A : f32 to vector<10000x1xf32>
    %ne3A_10 = arith.cmpf one, %slice3A, %ne3A_9 : vector<10000x1xf32>
    %jit3A = arith.constant 1.000000e+00 : f32
    %broadcast_in_dim3A = vector.broadcast %jit3A : f32 to vector<10000x1xf32>
    %select_n3A = arith.select %ne3A_10, %slice3A, %broadcast_in_dim3A : vector<10000x1xi1>, vector<10000x1xf32>
    %div3A = arith.constant 1.000000e+00 : f32
    %div3A_11 = vector.broadcast %div3A : f32 to vector<10000x1xf32>
    %div3A_12 = arith.divf %div3A_11, %select_n3A : vector<10000x1xf32>
    %jit3A_13 = arith.constant 0.000000e+00 : f32
    %broadcast_in_dim3A_14 = vector.broadcast %jit3A_13 : f32 to vector<10000x1xf32>
    %select_n3A_15 = arith.select %ne3A_10, %div3A_12, %broadcast_in_dim3A_14 : vector<10000x1xi1>, vector<10000x1xf32>
    %slice3A_16 = vector.extract_strided_slice %get3A_3 {offsets = [0, 0], sizes = [10000, 128], strides = [1, 1]} : vector<10000x144xf32> to vector<10000x128xf32>
    %mul3A = vector.broadcast %select_n3A_15 : vector<10000x1xf32> to vector<10000x128xf32>
    %mul3A_17 = arith.mulf %slice3A_16, %mul3A : vector<10000x128xf32>
    %swap3A = arith.constant 0 : index
    %swap3A_18 = arith.constant 0 : index
    %swap3A_19 = vector.load %arg1[%swap3A, %swap3A_18] : memref<10000x256xf32, #tpu.memory_space<vmem>>, vector<10000x128xf32>
    tpu.vector_store %arg1[%swap3A, %swap3A_18], %mul3A_17 {strides = array<i32>} : memref<10000x256xf32, #tpu.memory_space<vmem>>, vector<10000x128xf32>,
    %slice3A_20 = vector.extract_strided_slice %get3A_8 {offsets = [0, 0], sizes = [10000, 128], strides = [1, 1]} : vector<10000x144xf32> to vector<10000x128xf32>
    %mul3A_21 = vector.broadcast %select_n3A_15 : vector<10000x1xf32> to vector<10000x128xf32>
    %mul3A_22 = arith.mulf %slice3A_20, %mul3A_21 : vector<10000x128xf32>
    %swap3A_23 = arith.constant 0 : index
    %swap3A_24 = arith.constant 128 : index
    %swap3A_25 = vector.load %arg1[%swap3A_23, %swap3A_24] : memref<10000x256xf32, #tpu.memory_space<vmem>>, vector<10000x128xf32>
    tpu.vector_store %arg1[%swap3A_23, %swap3A_24], %mul3A_22 {strides = array<i32>} : memref<10000x256xf32, #tpu.memory_space<vmem>>, vector<10000x128xf32>,
    return
  }
}

</mosaic_0001>

<sc_bundles>
// kernel: kernel.5.cloned.1.call-start
scs
__scs_entry_jumppad:
0x0: {  	(pc) =	sbr.rel $0x88, $3  }
0x1: {  	(tag) =	ssettag $0x0;
	lr =	simm.s32 $0x1  }
0x2: {  	[smem:$0x3F9E] =	sst lr;
	_ =	strace $0xD0000000  }
0x3: {  	_ = 	snop  }
0x4: {  	_ = 	snop  }
0x5: {  	_ = 	snop  }
0x6: {  	_ = 	snop  }
0x7: {  	_ = 	snop  }
__scs_overlays_trampoline_lowered:
0x8: {  	[smem:$0x3FAD] =	sst s0  }
0x9: {  	[smem:$0x3FAE] =	sst s1  }
0xa: {  	[smem:$0x3FAF] =	sst s2  }
0xb: {  	[smem:$0x3FB0] =	sst s3  }
0xc: {  	[smem:$0x3FB1] =	sst s4  }
0xd: {  	[smem:$0x3FB2] =	sst s5  }
0xe: {  	[smem:$0x3FB3] =	sst s6  }
0xf: {  	[smem:$0x3FB4] =	sst s7  }
0x10: {  	[smem:$0x3FB5] =	sst s8  }
0x11: {  	[smem:$0x3FB6] =	sst s9;
	s0 =	simm.s32 @!p0 $0x0  }
0x12: {  	s1 =	sld [smem:$0x3F9C];
	s0 =	simm.s32 @p0 $0x1  }
0x13: {  	[smem:$0x3FB7] =	sst s0;
	s0 =	simm.s32 @!p1 $0x0  }
0x14: {  	s2 =	sld [smem:$0x3F9B];
	s0 =	simm.s32 @p1 $0x1  }
0x15: {  	[smem:$0x3FB8] =	sst s0;
	s0 =	simm.s32 @!p2 $0x0  }
0x16: {  	s3 =	sld [smem:$0x3FDB];
	s0 =	simm.s32 @p2 $0x1  }
0x17: {  	s4 =	simm.s32 $0x1BF5;
	[smem:$0x3FBA] =	sst s0  }
0x18: {  	s0 =	sld [smem:$0x3F9D];
	_ =	swait.ge [sflag:s4], $0x0  }
0x19: {  	s7 =	sld [smem:$0x3F9E]  }
0x1a: {  	s8 =	sadd.s32 $0xFFFFE003, lr  }
0x1b: {  	s9 =	sadd.s32 $0xFFFFFEF7, lr;
	s5 =	simm.s32 $0xFFFFFFFF;
	p2 =	slt.u32 s8, $0xFFFFF086  }
0x1c: {  	p1 =	slt.u32 s9, $0xF7A;
	s5 =	simm.s32 @!p2 $0x0  }
0x1d: {  	s5 =	simm.s32 @p1 $0x1;
	p0 =	seq.s32 s7, s2  }
0x1e: {  	s7 =	smul.u32 @!p0 $0xF7A, s2;
	p2 =	seq.s32 @!p0 s5, $0x0  }
0x1f: {  	s9 =	smul.u32 $0xF7A, s1;
	s8 =	simm.s32 @!p0 $0x1BF5;
	p2 =	por !p2, p0  }
0x20: {  	[sflag:s8] =	ssyncset.s32 @!p0 $0xFFFFF086;
	s6 =	sadd.s32 @!p0 s3, s7;
	s7 =	simm.s32 @!p0 $0x108  }
0x21: {  	s3 =	sadd.s32 s3, s9;
	s6 =	sadd.s32 @!p0 $0x88, s6;
	s7 =	simm.s32 @p2 $0x1082  }
0x22: {  	[simem:s7], [sflag:s8] =	dma.local @!p0 [hbm:s6], $0xF7A  }
0x23: {  	s9 =	sor.u32 $0xD0000000, s2;
	s6 =	simm.s32 $0x108;
	_ =	swait.ge @!p0 [sflag:s8], $0x0  }
0x24: {  	s3 =	sadd.s32 $0x88, s3;
	s6 =	simm.s32 @!p1 $0x1082;
	[sflag:s4] =	ssyncset.s32 $0xFFFFF086  }
0x25: {  	[simem:s6], [sflag:s4] =	dma.local [hbm:s3], $0xF7A  }
0x26: {  	[smem:$0x3F9E] =	sst s1;
	(tag) =	ssettag s2;
	_ =	strace s9  }
0x27: {  	s1 =	sld [smem:$0x3FAE]  }
0x28: {  	s2 =	sld [smem:$0x3FAF]  }
0x29: {  	s4 =	sld [smem:$0x3FB1]  }
0x2a: {  	p0 =	seq.s32 s5, $0x0;
	s5 =	sld [smem:$0x3FB2]  }
0x2b: {  	s6 =	sld [smem:$0x3FB3]  }
0x2c: {  	s7 =	sld [smem:$0x3FB4]  }
0x2d: {  	s3 =	simm.s32 $0x108;
	s8 =	sld [smem:$0x3FB5]  }
0x2e: {  	s3 =	simm.s32 @!p0 $0x1082;
	s9 =	sld [smem:$0x3FB6]  }
0x2f: {  	lr =	sadd.s32 s0, s3;
	s0 =	sld [smem:$0x3FAD]  }
0x30: {  	s3 =	sld [smem:$0x3FB0]  }
0x31: {  	[smem:$0x3FB9] =	sst s10  }
0x32: {  	s10 =	sld [smem:$0x3FB7];
	_ =	sdelay $0x3  }
0x33: {  	p0 =	seq.s32 s10, $0x1;
	s10 =	sld [smem:$0x3FB9];
	_ =	sdelay $0x3  }
0x34: {  	[smem:$0x3FB9] =	sst s10  }
0x35: {  	s10 =	sld [smem:$0x3FB8];
	_ =	sdelay $0x3  }
0x36: {  	p1 =	seq.s32 s10, $0x1;
	s10 =	sld [smem:$0x3FB9];
	_ =	sdelay $0x3  }
0x37: {  	[smem:$0x3FB9] =	sst s10  }
0x38: {  	s10 =	sld [smem:$0x3FBA]  }
0x39: {  	_ = 	snop;
	(pc) =	sbr.ind lr, $3  }
0x3a: {  	_ = 	snop  }
0x3b: {  	_ = 	snop  }
0x3c: {  	p2 =	seq.s32 s10, $0x1;
	s10 =	sld [smem:$0x3FB9]  }
0x3d: {  	_ =	shalt  }
0x3e: {  	_ =	shalt  }
0x3f: {  	_ =	shalt  }
0x40: {  	_ =	shalt  }
0x41: {  	_ =	shalt  }
0x42: {  	_ =	shalt  }
0x43: {  	_ =	shalt  }
0x44: {  	_ =	shalt  }
0x45: {  	_ =	shalt  }
0x46: {  	_ =	shalt  }
0x47: {  	_ =	shalt  }
0x48: {  	_ =	shalt  }
0x49: {  	_ =	shalt  }
0x4a: {  	_ =	shalt  }
0x4b: {  	_ =	shalt  }
0x4c: {  	_ =	shalt  }
0x4d: {  	_ =	shalt  }
0x4e: {  	_ =	shalt  }
0x4f: {  	_ =	shalt  }
0x50: {  	_ =	shalt  }
0x51: {  	_ =	shalt  }
0x52: {  	_ =	shalt  }
0x53: {  	_ =	shalt  }
0x54: {  	_ =	shalt  }
0x55: {  	_ =	shalt  }
0x56: {  	_ =	shalt  }
0x57: {  	_ =	shalt  }
0x58: {  	_ =	shalt  }
0x59: {  	_ =	shalt  }
0x5a: {  	_ =	shalt  }
0x5b: {  	_ =	shalt  }
0x5c: {  	_ =	shalt  }
0x5d: {  	_ =	shalt  }
0x5e: {  	_ =	shalt  }
0x5f: {  	_ =	shalt  }
0x60: {  	_ =	shalt  }
0x61: {  	_ =	shalt  }
0x62: {  	_ =	shalt  }
0x63: {  	_ =	shalt  }
0x64: {  	_ =	shalt  }
0x65: {  	_ =	shalt  }
0x66: {  	_ =	shalt  }
0x67: {  	_ =	shalt  }
0x68: {  	_ =	shalt  }
0x69: {  	_ =	shalt  }
0x6a: {  	_ =	shalt  }
0x6b: {  	_ =	shalt  }
0x6c: {  	_ =	shalt  }
0x6d: {  	_ =	shalt  }
0x6e: {  	_ =	shalt  }
0x6f: {  	_ =	shalt  }
0x70: {  	_ =	shalt  }
0x71: {  	_ =	shalt  }
0x72: {  	_ =	shalt  }
0x73: {  	_ =	shalt  }
0x74: {  	_ =	shalt  }
0x75: {  	_ =	shalt  }
0x76: {  	_ =	shalt  }
0x77: {  	_ =	shalt  }
0x78: {  	_ =	shalt  }
0x79: {  	_ =	shalt  }
0x7a: {  	_ =	shalt  }
0x7b: {  	_ =	shalt  }
0x7c: {  	_ =	shalt  }
0x7d: {  	_ =	shalt  }
0x7e: {  	_ =	shalt  }
0x7f: {  	_ =	shalt  }
0x80: {  	_ =	shalt  }
0x81: {  	_ =	shalt  }
0x82: {  	_ =	shalt  }
0x83: {  	_ =	shalt  }
0x84: {  	_ =	shalt  }
0x85: {  	_ =	shalt  }
0x86: {  	_ =	shalt  }
0x87: {  	_ =	shalt  }
.Lfunc_end0:
.L_simem_size_0:
called_computation_lowered:
.L_overlay_start_0:
0x88: {  	s2 =	sld [smem:$0x3FD9]  }
0x89: {  	s3 =	sld [smem:$0x3FFE];
	_ =	sdelay $0x1  }
0x8a: {  	s1 =	srdreg.scid  }
0x8b: {  	s0 =	sand.u32 $0x1, s1  }
0x8c: {  	s17 =	sshll.u32 s0, $0xA;
	s2 =	sadd.s32 s3, s2  }
0x8d: {  	s2 =	sadd.s32 s2, s17  }
0x8e: {  	[smem:$0x3FC5] =	sst s2  }
0x8f: {  	_ = 	snop  }
0x90: {  	s2 =	sld [smem:$0x3FD0];
	(tm) =	ssettm $0x1  }
0x91: {  	s18 =	sld [smem:$0x3FFB];
	_ =	sdelay $0x3  }
0x92: {  	_ =	strace s18  }
0x93: {  	s3 =	sld [smem:$0x3FFC];
	_ =	sdelay $0x3  }
0x94: {  	_ =	strace s3  }
0x95: {  	s3 =	sld [smem:$0x3FFD];
	_ =	sdelay $0x3  }
0x96: {  	_ =	strace s3  }
0x97: {  	_ =	strace $0x8FFFFFFF  }
0x98: {  	s19 =	sld [smem:$0x3FDB];
	_ =	sdelay $0x1  }
0x99: {  	s4 =	simm.s32 $_scs_section_size  }
0x9a: {  	s5 =	simm.s32 $_size__tile_overlayer_lowered;
	s6 =	simm.s32 $_tile_overlayer_lowered  }
0x9b: {  	s22 =	simm.s32 $0x1BFF;
	s21 =	sshll.u32 s6, $0x1;
	s3 =	sadd.s32 s4, s19  }
0x9c: {  	s7 =	simm.s32 $0x0;
	s20 =	sshll.u32 s5, $0x1;
	s5 =	sadd.s32 s21, s3  }
0x9d: {  	[timem:s7], [sflag:s22] =	dma.local [hbm:s5], s20  }
0x9e: {  	_ =	swait.ge [sflag:s22], s20  }
0x9f: {  	s4 =	ssub.s32 $0x0, s20;
	[sflag:s22] =	ssyncset.done $0x0  }
0xa0: {  	[sflag:s22] =	ssyncadd.s32 s4;
	_ =	sdelay $0x1  }
0xa1: {  	s23 =	simm.s32 $0x1B8B  }
0xa2: {  	_ =	swait.ge [sflag:s23], $0x1  }
0xa3: {  	[sflag:s23] =	ssyncset.done $0x0  }
0xa4: {  	s25 =	simm.s32 $0x1B8E;
	s24 =	sld [smem:$0x3FFE];
	[sflag:s23] =	ssyncadd.s32 $0xFFFFFFFF  }
0xa5: {  	s26 =	simm.s32 $execute0_lowered;
	[smem:$0x3FD2] =	sst s25  }
0xa6: {  	s5 =	sshll.u32 s26, $0x1;
	_ =	strace $0x80000046;
	[dreg:$0x1] =	wrdreg $0xFFFFFFFF  }
0xa7: {  	s28 =	simm.s32 $_size_execute0_lowered;
	s3 =	sadd.s32 s3, s5;
	[dreg:$0x0] =	wrdreg $0x0  }
0xa8: {  	s5 =	sshll.u32 s28, $0x1;
	[dreg:$0x2] =	wrdreg s3  }
0xa9: {  	[dreg:$0x3] =	wrdreg s5  }
0xaa: {  	[dreg:$0x4] =	wrdreg $0xC0  }
0xab: {  	_ =	task [dreg:s7], $0x5FFFF  }
0xac: {  	[dreg:$0x1] =	wrdreg $0xFFFFFFFF  }
0xad: {  	[dreg:$0x0] =	wrdreg $0x60  }
0xae: {  	[dreg:$0x2] =	wrdreg s2  }
0xaf: {  	[dreg:$0x3] =	wrdreg s24  }
0xb0: {  	[dreg:$0x4] =	wrdreg $0x98000  }
0xb1: {  	[dreg:$0x5] =	wrdreg $0x9  }
0xb2: {  	_ =	task.clear_ibuf [dreg:s7], $0x6FFFF;
	_ =	strace $0x90000046  }
0xb3: {  	s29 =	simm.s32 $0x9;
	_ =	strace $0x80000048  }
0xb4: {  	_ =	swait.ge [sflag:s29], $0x1  }
0xb5: {  	[sflag:s29] =	ssyncadd.s32 $0xFFFFFFFF  }
0xb6: {  	_ =	strace $0x90000048  }
0xb7: {  	_ =	sfence  }
0xb8: {  	s30 =	sld [smem:$0x0];
	_ =	sdelay $0x2  }
0xb9: {  	s31 =	sshll.u32 s1, $0xD;
	s1 =	sshrl.u32 s1, $0x2  }
0xba: {  	s3 =	sand.u32 $0x4000, s31;
	s1 =	sadd.s32 s1, s30  }
0xbb: {  	s0 =	sor.u32 s3, s0;
	s1 =	sshll.u32 s1, $0x11  }
0xbc: {  	s0 =	sor.u32 s1, s0  }
0xbd: {  	s0 =	sadd.s32 $0x8F2B, s0  }
0xbe: {  	[sflag:s0] =	ssyncadd.remote.s32 $0x1  }
0xbf: {  	_ =	sfence.sel $0xFFFF  }
0xc0: {  	[dreg:$0x0] =	wrdreg $0xFFFFFFFF;
	(pc) =	sbr.abs _section_cstart, $3  }
0xc1: {  	[dreg:$0x1] =	wrdreg $0xFFFFFFFF  }
0xc2: {  	_ =	task.clear_ibuf [dreg:s7], $0x2FFFF;
	_ =	strace $0x9FFFFFFF  }
0xc3: {  	(tm) =	ssettm $0x7FFFFFFF  }
tec
execute0_lowered:
.L_overlay_start_1:
0x0: {  	(tag) =	ssettag $0x1  }
0x1: {  	s6 =	rddreg [dreg:$0x0]  }
0x2: {  	s7 =	rddreg [dreg:$0x1];
	s1 =	srdreg.scid  }
0x3: {  	s0 =	stileid.u32;
	s2 =	rddreg [dreg:$0x2]  }
0x4: {  	s3 =	simm.s32 $0x0;
	s15 =	simm.s32 $0x5000;
	s16 =	simm.s32 $0x7400  }
0x5: {  	s17 =	simm.s32 $0x1;
	s18 =	simm.s32 $0x2;
	s19 =	simm.s32 $0x27C0  }
0x6: {  	s20 =	simm.s32 $0x4F80;
	s21 =	simm.s32 $0x4FC0;
	s22 =	simm.s32 $0x0  }
0x7: {  	s8 =	sand.u32 $0x1, s1;
	s9 =	smul.u32 $0x16380, s0;
	s1 =	rddreg [dreg:$0x3]  }
0x8: {  	[smem:$0x7FF] =	sst s3;
	s11 =	smul.u32 $0x2800, s0;
	s4 =	sadd.s32 $0xA1400, s7  }
0x9: {  	s5 =	sadd.s32 $0x5000, s7;
	s31 =	sshll.u32 s0, $0x6;
	s10 =	smul.u32 $0x163800, s8  }
0xa: {  	_ =	strace $0x80000047;
	s12 =	smul.u32 $0x28000, s8;
	s8 =	ssub.s32 $0x2, s8  }
0xb: {  	s13 =	sshrl.u32 s8, $0x1;
	s30 =	sshrl.u32 s11, $0x3;
	s14 =	sadd.s32 s9, s2  }
0xc: {  	s10 =	sadd.s32 s9, s10;
	s12 =	sadd.s32 s11, s12;
	s13 =	ssub.s32 s8, s13  }
0xd: {  	s11 =	simm.s32 $0x2800;
	s10 =	sshrl.u32 s10, $0x3;
	s12 =	sshrl.u32 s12, $0x3  }
0xe: {  	s9 =	smax.u32 s13, $0x1;
	s13 =	sshrl.u32 s14, $0x3;
	s14 =	simm.s32 $0x40  }
0xf: {  	s10 =	sadd.s32 s10, s7;
	s6 =	sadd.s32 s6, s12;
	s7 =	sadd.s32 s7, s30  }
0x10: {  	s12 =	sor.u32 $0x1C03, s31;
	s8 =	sadd.s32 $0x7E00, s10;
	s10 =	simm.s32 $0x3  }
.LBB2_1:
0x11: {  	[tilespmem:s3], [sflag:$0x3] =	stream.linear.gather [hbm4b:s6+s3], $0x2800, $0x38;
	[tilespmem:$0x1FB80] =	vst v63  }
0x12: {  	_ =	swait.ge [sflag:s10], $0x2800  }
0x13: {  	[sflag:s10] =	ssyncset.done $0x0  }
0x14: {  	[sflag:s10] =	ssyncadd.s32 $0xFFFFD800  }
0x15: {  	[tilespmem:s11], [sflag:$0x3] =	stream.linear.gather [hbm4b:s7+s3], $0x2800, $0x38;
	[tilespmem:$0x1FB80] =	vst v63  }
0x16: {  	_ =	swait.ge [sflag:s10], $0x2800  }
0x17: {  	[sflag:s10] =	ssyncset.done $0x0  }
0x18: {  	[sflag:s10] =	ssyncadd.s32 $0xFFFFD800  }
0x19: {  	[spmem:s13], [sflag:s12] =	dma.local [hbm:s5], $0x2C70  }
0x1a: {  	_ =	swait.ge [sflag:s10], $0x2C70  }
0x1b: {  	[sflag:s10] =	ssyncset.done $0x0  }
0x1c: {  	[sflag:s10] =	ssyncadd.s32 $0xFFFFD390  }
0x1d: {  	[bflag:$0x0] =	sbarrier.arrive $0xFFFF  }
0x1e: {  	[tilespmem:s15], [sflag:$0x1] =	stream.indirect.gather [hbm4b:s4+s14], $0x90, s3, s14, $0xb8;
	[tilespmem:$0x1FB80] =	vst v63  }
0x1f: {  	s23 =	simm.s32 $0x40  }
0x20: {  	[tilespmem:s16], [sflag:$0x2] =	stream.indirect.gather [hbm4b:s4+s14], $0x90, s23, s14, $0xb8;
	[tilespmem:$0x1FB80] =	vst v63  }
0x21: {  	_ =	swait.ge [sflag:s17], $0x2400  }
0x22: {  	[sflag:s17] =	ssyncset.done $0x0  }
0x23: {  	s29 =	simm.s32 $0x2800;
	[sflag:s17] =	ssyncadd.s32 $0xFFFFDC00  }
0x24: {  	[spmem:s2] =	stream.indirect.scatter.add.f32 [tilespmem:s15], [sflag:$0x3], $0x90, s29, s14, $0xb8;
	[tilespmem:$0x1FB80] =	vst v63  }
0x25: {  	_ =	swait.ge [sflag:s10], $0x2400  }
0x26: {  	[sflag:s10] =	ssyncset.done $0x0  }
0x27: {  	s30 =	simm.s32 $0x80;
	[sflag:s10] =	ssyncadd.s32 $0xFFFFDC00  }
0x28: {  	[tilespmem:s15], [sflag:$0x1] =	stream.indirect.gather [hbm4b:s4+s14], $0x90, s30, s14, $0xb8;
	[tilespmem:$0x1FB80] =	vst v63  }
0x29: {  	_ =	swait.ge [sflag:s18], $0x2400  }
0x2a: {  	[sflag:s18] =	ssyncset.done $0x0  }
0x2b: {  	s31 =	simm.s32 $0x2840;
	[sflag:s18] =	ssyncadd.s32 $0xFFFFDC00  }
0x2c: {  	[spmem:s2] =	stream.indirect.scatter.add.f32 [tilespmem:s16], [sflag:$0x3], $0x90, s31, s14, $0xb8;
	[tilespmem:$0x1FB80] =	vst v63  }
0x2d: {  	_ =	swait.ge [sflag:s10], $0x2400  }
0x2e: {  	s24 =	simm.s32 $0x400;
	s23 =	simm.s32 $0x80;
	[sflag:s10] =	ssyncset.done $0x0  }
.LBB2_2:
0x2f: {  	s25 =	sadd.s32 $0x40, s23  }
0x30: {  	[sflag:s10] =	ssyncadd.s32 $0xFFFFDC00;
	s26 =	smov.u32 s24;
	s28 =	sadd.s32 $0x200, s24  }
0x31: {  	[tilespmem:s16], [sflag:$0x2] =	stream.indirect.gather [hbm4b:s4+s14], $0x90, s25, s14, $0xb8;
	[tilespmem:$0x1FB80] =	vst v63  }
0x32: {  	p0 =	sne.s32 s24, $0x9C00;
	_ =	swait.ge [sflag:s17], $0x2400  }
0x33: {  	[sflag:s17] =	ssyncset.done $0x0  }
0x34: {  	s24 =	sadd.s32 $0x2800, s23;
	[sflag:s17] =	ssyncadd.s32 $0xFFFFDC00  }
0x35: {  	[spmem:s2] =	stream.indirect.scatter.add.f32 [tilespmem:s15], [sflag:$0x3], $0x90, s24, s14, $0xb8;
	[tilespmem:$0x1FB80] =	vst v63  }
0x36: {  	_ =	swait.ge [sflag:s10], $0x2400  }
0x37: {  	[sflag:s10] =	ssyncset.done $0x0  }
0x38: {  	s24 =	sadd.s32 $0x80, s23;
	[sflag:s10] =	ssyncadd.s32 $0xFFFFDC00  }
0x39: {  	[tilespmem:s15], [sflag:$0x1] =	stream.indirect.gather [hbm4b:s4+s14], $0x90, s24, s14, $0xb8;
	[tilespmem:$0x1FB80] =	vst v63  }
0x3a: {  	_ =	swait.ge [sflag:s18], $0x2400  }
.Ltmp0:
0x3b: {  	[sflag:s18] =	ssyncset.done $0x0;
	(pc) =	sbr.rel @p0 .LBB2_2-.Ltmp0, $4  }
0x3c: {  	s23 =	sadd.s32 $0x2840, s23;
	[sflag:s18] =	ssyncadd.s32 $0xFFFFDC00  }
0x3d: {  	[spmem:s2] =	stream.indirect.scatter.add.f32 [tilespmem:s16], [sflag:$0x3], $0x90, s23, s14, $0xb8;
	[tilespmem:$0x1FB80] =	vst v63  }
0x3e: {  	_ =	swait.ge [sflag:s10], $0x2400  }
0x3f: {  	s24 =	smov.u32 s28;
	s23 =	sshra.s32 s26, $0x2;
	[sflag:s10] =	ssyncset.done $0x0  }
0x40: {  	s24 =	sadd.s32 $0x40, s23;
	[sflag:s10] =	ssyncadd.s32 $0xFFFFDC00  }
0x41: {  	[tilespmem:s16], [sflag:$0x2] =	stream.indirect.gather [hbm4b:s4+s14], $0x90, s24, s14, $0xb8;
	[tilespmem:$0x1FB80] =	vst v63  }
0x42: {  	_ =	swait.ge [sflag:s17], $0x2400  }
0x43: {  	[sflag:s17] =	ssyncset.done $0x0  }
0x44: {  	s29 =	sadd.s32 $0x2800, s23;
	[sflag:s17] =	ssyncadd.s32 $0xFFFFDC00  }
0x45: {  	[spmem:s2] =	stream.indirect.scatter.add.f32 [tilespmem:s15], [sflag:$0x3], $0x90, s29, s14, $0xb8;
	[tilespmem:$0x1FB80] =	vst v63  }
0x46: {  	_ =	swait.ge [sflag:s10], $0x2400  }
0x47: {  	[sflag:s10] =	ssyncset.done $0x0  }
0x48: {  	s30 =	sadd.s32 $0x80, s23;
	[sflag:s10] =	ssyncadd.s32 $0xFFFFDC00  }
0x49: {  	[tilespmem:s15], [sflag:$0x1] =	stream.indirect.gather [hbm4b:s4+s14], $0x90, s30, s14, $0xb8;
	[tilespmem:$0x1FB80] =	vst v63  }
0x4a: {  	_ =	swait.ge [sflag:s18], $0x2400  }
0x4b: {  	[sflag:s18] =	ssyncset.done $0x0  }
0x4c: {  	s31 =	sadd.s32 $0x2840, s23;
	[sflag:s18] =	ssyncadd.s32 $0xFFFFDC00  }
0x4d: {  	[spmem:s2] =	stream.indirect.scatter.add.f32 [tilespmem:s16], [sflag:$0x3], $0x90, s31, s14, $0xb8;
	[tilespmem:$0x1FB80] =	vst v63  }
0x4e: {  	_ =	swait.ge [sflag:s10], $0x2400  }
0x4f: {  	[sflag:s10] =	ssyncset.done $0x0  }
0x50: {  	[sflag:s10] =	ssyncadd.s32 $0xFFFFDC00  }
0x51: {  	[tilespmem:s16], [sflag:$0x2] =	stream.indirect.gather [hbm4b:s4+s14], $0x90, s19, s14, $0xb8;
	[tilespmem:$0x1FB80] =	vst v63  }
0x52: {  	_ =	swait.ge [sflag:s17], $0x2400  }
0x53: {  	[sflag:s17] =	ssyncset.done $0x0  }
0x54: {  	[sflag:s17] =	ssyncadd.s32 $0xFFFFDC00  }
0x55: {  	[spmem:s2] =	stream.indirect.scatter.add.f32 [tilespmem:s15], [sflag:$0x3], $0x90, s20, s14, $0xb8;
	[tilespmem:$0x1FB80] =	vst v63  }
0x56: {  	_ =	swait.ge [sflag:s10], $0x2400  }
0x57: {  	[sflag:s10] =	ssyncset.done $0x0  }
0x58: {  	[sflag:s10] =	ssyncadd.s32 $0xFFFFDC00  }
0x59: {  	_ =	swait.ge [sflag:s18], $0x2400  }
0x5a: {  	[sflag:s18] =	ssyncset.done $0x0  }
0x5b: {  	[sflag:s18] =	ssyncadd.s32 $0xFFFFDC00  }
0x5c: {  	[spmem:s2] =	stream.indirect.scatter.add.f32 [tilespmem:s16], [sflag:$0x3], $0x90, s21, s14, $0xb8;
	[tilespmem:$0x1FB80] =	vst v63  }
0x5d: {  	_ =	swait.ge [sflag:s10], $0x2400  }
0x5e: {  	s22 =	sadd.s32 $0x1, s22;
	[sflag:s10] =	ssyncset.done $0x0  }
0x5f: {  	p0 =	sne.s32 s22, s9;
	[sflag:s10] =	ssyncadd.s32 $0xFFFFDC00  }
.Ltmp1:
0x60: {  	[bflag:$0x0] =	sbarrier.arrive $0xFFFF;
	(pc) =	sbr.rel @p0 .LBB2_1-.Ltmp1, $4  }
0x61: {  	[hbm:s8], [sflag:s12] =	dma.local [spmem:s13], $0x2C70  }
0x62: {  	_ =	swait.ge [sflag:s10], $0x2C70  }
0x63: {  	[sflag:s10] =	ssyncset.done $0x0  }
0x64: {  	[sflag:s10] =	ssyncadd.s32 $0xFFFFD390  }
0x65: {  	_ =	sfence.sel $0x180000  }
0x66: {  	[bflag:$0x0] =	sbarrier.arrive $0xFFFF  }
0x67: {  	p0 =	sne.s32 s0, $0x0;
	_ =	strace $0x90000047  }
0x68: {  	s0 =	sadd.s32 @!p0 $0x100000, s1;
	[bflag:$0x2] =	sbarrier.arrive $0xFFFF  }
0x69: {  	[sflag:s0] =	ssyncadd.tile.s32 @!p0 $0x1;
	_ =	shalt  }
.Lfunc_end2:
_tile_overlayer_lowered:
.L_overlay_start_2:
0x6a: {  	(tag) =	ssettag $0x2  }
0x6b: {  	s0 =	rddreg [dreg:$0x0];
	s2 =	stileid.u32  }
0x6c: {  	s1 =	rddreg [dreg:$0x1];
	p0 =	sne.s32 s2, $0x0  }
0x6d: {  	s3 =	rddreg [dreg:$0x2];
	[bflag:$0x3] =	sbarrier.arrive $0xFFFF;
	s2 =	simm.s32 @!p0 $0x1C03  }
0x6e: {  	[timem:s3], [sflag:s2] =	dma.local @!p0 [hbm:s0], s1  }
0x6f: {  	s0 =	simm.s32 @!p0 $0x3  }
0x70: {  	_ =	swait.ge @!p0 [sflag:s0], s1  }
0x71: {  	s1 =	ssub.s32 @!p0 $0x0, s1;
	[sflag:s0] =	ssyncset.done @!p0 $0x0  }
0x72: {  	[sflag:s0] =	ssyncadd.s32 @!p0 s1  }
0x73: {  	[bflag:$0x3] =	sbarrier.arrive $0xFFFF  }
0x74: {  	_ =	shalt  }

</sc_bundles>
